<compile_context>
chip_gen: v7x
topology: tpu7x:2x2x1
jax: 0.10.2.dev20260603
libtpu: 0.0.44.dev20260713+nightly
codegen_flags: <defaults>
</compile_context>

<pallas_src>
import jax
import jax.numpy as jnp
from jax import lax
from jax.experimental import pallas as pl
from jax.experimental.pallas import tpu as pltpu
from jax.experimental.pallas import tpu_sc as plsc

NC = 2
NS = 16
NW = NC * NS

D = 128
NB = 4


def _build(S, N, V):
    npw = N // NW

    mesh = plsc.VectorSubcoreMesh(core_axis_name="c", subcore_axis_name="s")

    def body(xt_hbm, table_hbm, out_hbm, idx_v, buf, table_sh, gsems, osems):
        wid = lax.axis_index("s") * NC + lax.axis_index("c")
        n0 = wid * npw
        @pl.when(lax.axis_index("s") == 0)
        def _():
            pltpu.sync_copy(table_hbm, table_sh)

        pltpu.sync_copy(xt_hbm.at[:, pl.ds(n0, npw)], idx_v)
        plsc.subcore_barrier()
        for p in range(NB - 1):
            pltpu.async_copy(table_sh.at[idx_v.at[p]], buf.at[p], gsems.at[p])

        def step(j, carry):
            b = lax.rem(j, NB)

            pltpu.make_async_copy(
                table_sh.at[idx_v.at[j]], buf.at[b], gsems.at[b]
            ).wait()
            pltpu.async_copy(
                buf.at[b], out_hbm.at[j, pl.ds(n0, npw)], osems.at[b]
            )

            nb = lax.rem(b + NB - 1, NB)

            @pl.when(j + NB - 1 < S)
            def _():
                @pl.when(j >= 1)
                def _():
                    pltpu.make_async_copy(
                        buf.at[nb], out_hbm.at[0, pl.ds(0, npw)], osems.at[nb]
                    ).wait()

                pltpu.async_copy(
                    table_sh.at[idx_v.at[j + NB - 1]], buf.at[nb], gsems.at[nb]
                )

            return carry

        lax.fori_loop(0, S, step, 0)
        for b in range(NB):
            pltpu.make_async_copy(
                buf.at[b], out_hbm.at[0, pl.ds(0, npw)], osems.at[b]
            ).wait()

    grid_kernel = pl.kernel(
        body,
        out_type=jax.ShapeDtypeStruct((S, N, D), jnp.float32),
        mesh=mesh,
        scratch_types=[
            pltpu.VMEM((S, npw), jnp.int32),
            pltpu.VMEM((NB, npw, D), jnp.float32),
            pltpu.VMEM_SHARED((V, D), jnp.float32),
            pltpu.SemaphoreType.DMA((NB,)),
            pltpu.SemaphoreType.DMA((NB,)),
        ],
    )
    return grid_kernel


def kernel(x, embedding):
    N, S = x.shape
    out_phys = _build(S, N, embedding.shape[0])(x.T, embedding)
    return out_phys.transpose(1, 0, 2)

# --- scband reference (transcript-rebuilt; emitter-appended) ---
"""Pipeline reference for scband-embedding-layer-3882650436168 (READ-ONLY COPY).

The authoritative reference and input builder live on the scoring server;
editing this copy changes nothing except your own understanding.
"""

import jax, jax.numpy as jnp
import numpy as np

N_V = 1000
N_D = 128

def setup_inputs(seed: int = 0) -> dict:
    key = jax.random.key(seed)
    k_idx, k_emb = jax.random.split(key)
    x = jax.random.randint(k_idx, (4096, 50), 0, N_V, dtype=jnp.int64 if jax.config.jax_enable_x64 else jnp.int32)
    x = x.astype(jnp.int32)
    # nn.Embedding default init: N(0, 1)
    embedding = jax.random.normal(k_emb, (N_V, N_D), dtype=jnp.float32)
    return {"x": x, "embedding": embedding}

def reference(x, embedding):
    # EmbeddingLayer.forward: self.embedding(x) -> gather rows of the table
    return jnp.take(embedding, x, axis=0)

if __name__ == "__main__":
    import jax
    _d = setup_inputs()
    print(jax.jit(kernel)(*tuple(_d.values())))

</pallas_src>

<mosaic_0001>
#map = affine_map<(d0, d1) -> (0, 0)>
#map1 = affine_map<(d0, d1) -> (0, 0, 0)>
module attributes {stable_mosaic.version = 14 : i64} {
  func.func @body(%arg0: i32, %arg1: i32, %arg2: memref<50x4096xi32, #tpu.memory_space<hbm>>, %arg3: memref<1000x128xf32, #tpu.memory_space<hbm>>, %arg4: memref<50x4096x128xf32, #tpu.memory_space<hbm>>, %arg5: memref<50x128xi32, #tpu.memory_space<vmem>>, %arg6: memref<4x128x128xf32, #tpu.memory_space<vmem>>, %arg7: memref<1000x128xf32, #tpu.memory_space<vmem_shared>>, %arg8: memref<4x!tpu.dma_semaphore, #tpu.memory_space<semaphore_mem>>, %arg9: memref<4x!tpu.dma_semaphore, #tpu.memory_space<semaphore_mem>>) attributes {dimension_semantics = [#tpu.dimension_semantics<core_parallel>, #tpu.dimension_semantics<subcore_parallel>], iteration_bounds = array<i64: 2, 16>, scalar_prefetch = 0 : i64, scratch_operands = 5 : i64, tpu.core_type = #tpu.core_type<sc_vector_subcore>, window_params = [{transform_indices = #map}, {transform_indices = #map}, {transform_indices = #map1}]} {
    %mul3A = arith.constant 2 : i32
    %mul3A_0 = arith.muli %arg1, %mul3A : i32
    %add3A = arith.addi %mul3A_0, %arg0 : i32
    %mul3A_1 = arith.constant 128 : i32
    %mul3A_2 = arith.muli %add3A, %mul3A_1 : i32
    %eq3A = arith.constant 0 : i32
    %eq3A_3 = arith.cmpi eq, %arg1, %eq3A : i32
    %convert_element_type3A = arith.extui %eq3A_3 : i1 to i32
    %cond3A = arith.constant 0 : i32
    %cond3A_4 = arith.cmpi ne, %convert_element_type3A, %cond3A : i32
    scf.if %cond3A_4 {
      "tpu.region"() ({
        %run_scoped3A = tpu.sem_alloc : memref<!tpu.dma_semaphore, #tpu.memory_space<semaphore_mem>>
        tpu.enqueue_dma source(%arg3 : memref<1000x128xf32, #tpu.memory_space<hbm>>) target(%arg7 : memref<1000x128xf32, #tpu.memory_space<vmem_shared>>) target_semaphore(%run_scoped3A : memref<!tpu.dma_semaphore, #tpu.memory_space<semaphore_mem>>)
        tpu.wait_dma2 semaphore(%run_scoped3A : memref<!tpu.dma_semaphore, #tpu.memory_space<semaphore_mem>>) src(%arg3 : memref<1000x128xf32, #tpu.memory_space<hbm>>) dst(%arg7 : memref<1000x128xf32, #tpu.memory_space<vmem_shared>>)
        tpu.yield
      }) : () -> ()
    } else {
    }
    "tpu.region"() ({
      %run_scoped3A = tpu.sem_alloc : memref<!tpu.dma_semaphore, #tpu.memory_space<semaphore_mem>>
      %dma_start3A_137 = arith.constant 0 : i32
      %dma_start3A_138 = tpu.memref_slice %arg2[%dma_start3A_137, %mul3A_2] : memref<50x4096xi32, #tpu.memory_space<hbm>> -> memref<50x128xi32, #tpu.memory_space<hbm>>
      %dma_start3A_139 = arith.constant 0 : i32
      %dma_start3A_140 = tpu.memref_slice %arg2[%dma_start3A_139, %mul3A_2] : memref<50x4096xi32, #tpu.memory_space<hbm>> -> memref<50x128xi32, #tpu.memory_space<hbm>>
      tpu.enqueue_dma source(%dma_start3A_140 : memref<50x128xi32, #tpu.memory_space<hbm>>) target(%arg5 : memref<50x128xi32, #tpu.memory_space<vmem>>) target_semaphore(%run_scoped3A : memref<!tpu.dma_semaphore, #tpu.memory_space<semaphore_mem>>)
      %dma_wait3A_141 = arith.constant 0 : i32
      %dma_wait3A_142 = tpu.memref_slice %arg2[%dma_wait3A_141, %mul3A_2] : memref<50x4096xi32, #tpu.memory_space<hbm>> -> memref<50x128xi32, #tpu.memory_space<hbm>>
      %dma_wait3A_143 = arith.constant 0 : i32
      %dma_wait3A_144 = tpu.memref_slice %arg2[%dma_wait3A_143, %mul3A_2] : memref<50x4096xi32, #tpu.memory_space<hbm>> -> memref<50x128xi32, #tpu.memory_space<hbm>>
      tpu.wait_dma2 semaphore(%run_scoped3A : memref<!tpu.dma_semaphore, #tpu.memory_space<semaphore_mem>>) src(%dma_wait3A_144 : memref<50x128xi32, #tpu.memory_space<hbm>>) dst(%arg5 : memref<50x128xi32, #tpu.memory_space<vmem>>)
      tpu.yield
    }) : () -> ()
    %barrier3A = arith.constant 0 : index
    tpu.barrier barrier_id(%barrier3A)
    %dma_start3A = arith.constant 0 : i32
    %dma_start3A_5 = arith.constant 0 : i32
    %dma_start3A_6 = arith.constant 0 : i32
    %dma_start3A_7 = arith.constant 0 : i32
    %dma_start3A_8 = arith.constant 0 : i32
    %dma_start3A_9 = tpu.memref_slice %arg6[%dma_start3A_5, %dma_start3A_7, %dma_start3A_8] : memref<4x128x128xf32, #tpu.memory_space<vmem>> -> memref<1x128x128xf32, #tpu.memory_space<vmem>>
    %dma_start3A_10 = tpu.memref_squeeze %dma_start3A_9 : memref<1x128x128xf32, #tpu.memory_space<vmem>> -> memref<128x128xf32, #tpu.memory_space<vmem>>
    %dma_start3A_11 = arith.constant 0 : i32
    %dma_start3A_12 = tpu.memref_slice %arg5[%dma_start3A, %dma_start3A_11] : memref<50x128xi32, #tpu.memory_space<vmem>> -> memref<1x128xi32, #tpu.memory_space<vmem>>
    %dma_start3A_13 = tpu.memref_squeeze %dma_start3A_12 : memref<1x128xi32, #tpu.memory_space<vmem>> -> memref<128xi32, #tpu.memory_space<vmem>>
    %dma_start3A_14 = arith.constant 0 : i32
    %dma_start3A_15 = arith.constant 0 : i32
    %dma_start3A_16 = tpu.memref_slice %arg7[%dma_start3A_14, %dma_start3A_15] : memref<1000x128xf32, #tpu.memory_space<vmem_shared>> -> memref<1000x128xf32, #tpu.memory_space<vmem_shared>>
    %dma_start3A_17 = tpu.memref_slice %arg8[%dma_start3A_6] : memref<4x!tpu.dma_semaphore, #tpu.memory_space<semaphore_mem>> -> memref<1x!tpu.dma_semaphore, #tpu.memory_space<semaphore_mem>>
    %dma_start3A_18 = tpu.memref_squeeze %dma_start3A_17 : memref<1x!tpu.dma_semaphore, #tpu.memory_space<semaphore_mem>> -> memref<!tpu.dma_semaphore, #tpu.memory_space<semaphore_mem>>
    tpu.enqueue_indirect_dma source(%dma_start3A_16 : memref<1000x128xf32, #tpu.memory_space<vmem_shared>>) target(%dma_start3A_10 : memref<128x128xf32, #tpu.memory_space<vmem>>) offsets(%dma_start3A_13 : memref<128xi32, #tpu.memory_space<vmem>>) semaphore(%dma_start3A_18 : memref<!tpu.dma_semaphore, #tpu.memory_space<semaphore_mem>>)
    %dma_start3A_19 = arith.constant 1 : i32
    %dma_start3A_20 = arith.constant 1 : i32
    %dma_start3A_21 = arith.constant 1 : i32
    %dma_start3A_22 = arith.constant 0 : i32
    %dma_start3A_23 = arith.constant 0 : i32
    %dma_start3A_24 = tpu.memref_slice %arg6[%dma_start3A_20, %dma_start3A_22, %dma_start3A_23] : memref<4x128x128xf32, #tpu.memory_space<vmem>> -> memref<1x128x128xf32, #tpu.memory_space<vmem>>
    %dma_start3A_25 = tpu.memref_squeeze %dma_start3A_24 : memref<1x128x128xf32, #tpu.memory_space<vmem>> -> memref<128x128xf32, #tpu.memory_space<vmem>>
    %dma_start3A_26 = arith.constant 0 : i32
    %dma_start3A_27 = tpu.memref_slice %arg5[%dma_start3A_19, %dma_start3A_26] : memref<50x128xi32, #tpu.memory_space<vmem>> -> memref<1x128xi32, #tpu.memory_space<vmem>>
    %dma_start3A_28 = tpu.memref_squeeze %dma_start3A_27 : memref<1x128xi32, #tpu.memory_space<vmem>> -> memref<128xi32, #tpu.memory_space<vmem>>
    %dma_start3A_29 = arith.constant 0 : i32
    %dma_start3A_30 = arith.constant 0 : i32
    %dma_start3A_31 = tpu.memref_slice %arg7[%dma_start3A_29, %dma_start3A_30] : memref<1000x128xf32, #tpu.memory_space<vmem_shared>> -> memref<1000x128xf32, #tpu.memory_space<vmem_shared>>
    %dma_start3A_32 = tpu.memref_slice %arg8[%dma_start3A_21] : memref<4x!tpu.dma_semaphore, #tpu.memory_space<semaphore_mem>> -> memref<1x!tpu.dma_semaphore, #tpu.memory_space<semaphore_mem>>
    %dma_start3A_33 = tpu.memref_squeeze %dma_start3A_32 : memref<1x!tpu.dma_semaphore, #tpu.memory_space<semaphore_mem>> -> memref<!tpu.dma_semaphore, #tpu.memory_space<semaphore_mem>>
    tpu.enqueue_indirect_dma source(%dma_start3A_31 : memref<1000x128xf32, #tpu.memory_space<vmem_shared>>) target(%dma_start3A_25 : memref<128x128xf32, #tpu.memory_space<vmem>>) offsets(%dma_start3A_28 : memref<128xi32, #tpu.memory_space<vmem>>) semaphore(%dma_start3A_33 : memref<!tpu.dma_semaphore, #tpu.memory_space<semaphore_mem>>)
    %dma_start3A_34 = arith.constant 2 : i32
    %dma_start3A_35 = arith.constant 2 : i32
    %dma_start3A_36 = arith.constant 2 : i32
    %dma_start3A_37 = arith.constant 0 : i32
    %dma_start3A_38 = arith.constant 0 : i32
    %dma_start3A_39 = tpu.memref_slice %arg6[%dma_start3A_35, %dma_start3A_37, %dma_start3A_38] : memref<4x128x128xf32, #tpu.memory_space<vmem>> -> memref<1x128x128xf32, #tpu.memory_space<vmem>>
    %dma_start3A_40 = tpu.memref_squeeze %dma_start3A_39 : memref<1x128x128xf32, #tpu.memory_space<vmem>> -> memref<128x128xf32, #tpu.memory_space<vmem>>
    %dma_start3A_41 = arith.constant 0 : i32
    %dma_start3A_42 = tpu.memref_slice %arg5[%dma_start3A_34, %dma_start3A_41] : memref<50x128xi32, #tpu.memory_space<vmem>> -> memref<1x128xi32, #tpu.memory_space<vmem>>
    %dma_start3A_43 = tpu.memref_squeeze %dma_start3A_42 : memref<1x128xi32, #tpu.memory_space<vmem>> -> memref<128xi32, #tpu.memory_space<vmem>>
    %dma_start3A_44 = arith.constant 0 : i32
    %dma_start3A_45 = arith.constant 0 : i32
    %dma_start3A_46 = tpu.memref_slice %arg7[%dma_start3A_44, %dma_start3A_45] : memref<1000x128xf32, #tpu.memory_space<vmem_shared>> -> memref<1000x128xf32, #tpu.memory_space<vmem_shared>>
    %dma_start3A_47 = tpu.memref_slice %arg8[%dma_start3A_36] : memref<4x!tpu.dma_semaphore, #tpu.memory_space<semaphore_mem>> -> memref<1x!tpu.dma_semaphore, #tpu.memory_space<semaphore_mem>>
    %dma_start3A_48 = tpu.memref_squeeze %dma_start3A_47 : memref<1x!tpu.dma_semaphore, #tpu.memory_space<semaphore_mem>> -> memref<!tpu.dma_semaphore, #tpu.memory_space<semaphore_mem>>
    tpu.enqueue_indirect_dma source(%dma_start3A_46 : memref<1000x128xf32, #tpu.memory_space<vmem_shared>>) target(%dma_start3A_40 : memref<128x128xf32, #tpu.memory_space<vmem>>) offsets(%dma_start3A_43 : memref<128xi32, #tpu.memory_space<vmem>>) semaphore(%dma_start3A_48 : memref<!tpu.dma_semaphore, #tpu.memory_space<semaphore_mem>>)
    %scan3A = arith.constant 0 : i32
    %scan3A_49 = arith.constant 0 : i32
    %scan3A_50 = arith.constant 50 : i32
    %scan3A_51 = arith.addi %scan3A_49, %scan3A_50 : i32
    %scan3A_52 = arith.constant 1 : i32
    scf.for %scan3A_137 = %scan3A_49 to %scan3A_51 step %scan3A_52  : i32 {
      %rem3A = arith.constant 4 : i32
      %rem3A_138 = arith.remsi %scan3A_137, %rem3A : i32
      %dma_wait3A_139 = arith.constant 0 : i32
      %dma_wait3A_140 = arith.constant 0 : i32
      %dma_wait3A_141 = tpu.memref_slice %arg6[%rem3A_138, %dma_wait3A_139, %dma_wait3A_140] : memref<4x128x128xf32, #tpu.memory_space<vmem>> -> memref<1x128x128xf32, #tpu.memory_space<vmem>>
      %dma_wait3A_142 = tpu.memref_squeeze %dma_wait3A_141 : memref<1x128x128xf32, #tpu.memory_space<vmem>> -> memref<128x128xf32, #tpu.memory_space<vmem>>
      %dma_wait3A_143 = arith.constant 0 : i32
      %dma_wait3A_144 = tpu.memref_slice %arg5[%scan3A_137, %dma_wait3A_143] : memref<50x128xi32, #tpu.memory_space<vmem>> -> memref<1x128xi32, #tpu.memory_space<vmem>>
      %dma_wait3A_145 = tpu.memref_squeeze %dma_wait3A_144 : memref<1x128xi32, #tpu.memory_space<vmem>> -> memref<128xi32, #tpu.memory_space<vmem>>
      %dma_wait3A_146 = arith.constant 0 : i32
      %dma_wait3A_147 = arith.constant 0 : i32
      %dma_wait3A_148 = tpu.memref_slice %arg7[%dma_wait3A_146, %dma_wait3A_147] : memref<1000x128xf32, #tpu.memory_space<vmem_shared>> -> memref<1000x128xf32, #tpu.memory_space<vmem_shared>>
      %dma_wait3A_149 = tpu.memref_slice %arg8[%rem3A_138] : memref<4x!tpu.dma_semaphore, #tpu.memory_space<semaphore_mem>> -> memref<1x!tpu.dma_semaphore, #tpu.memory_space<semaphore_mem>>
      %dma_wait3A_150 = tpu.memref_squeeze %dma_wait3A_149 : memref<1x!tpu.dma_semaphore, #tpu.memory_space<semaphore_mem>> -> memref<!tpu.dma_semaphore, #tpu.memory_space<semaphore_mem>>
      tpu.wait_indirect_dma semaphore(%dma_wait3A_150 : memref<!tpu.dma_semaphore, #tpu.memory_space<semaphore_mem>>) src(%dma_wait3A_148 : memref<1000x128xf32, #tpu.memory_space<vmem_shared>>) dst(%dma_wait3A_142 : memref<128x128xf32, #tpu.memory_space<vmem>>)
      %dma_start3A_151 = arith.constant 0 : i32
      %dma_start3A_152 = arith.constant 0 : i32
      %dma_start3A_153 = tpu.memref_slice %arg6[%rem3A_138, %dma_start3A_151, %dma_start3A_152] : memref<4x128x128xf32, #tpu.memory_space<vmem>> -> memref<1x128x128xf32, #tpu.memory_space<vmem>>
      %dma_start3A_154 = tpu.memref_squeeze %dma_start3A_153 : memref<1x128x128xf32, #tpu.memory_space<vmem>> -> memref<128x128xf32, #tpu.memory_space<vmem>>
      %dma_start3A_155 = arith.constant 0 : i32
      %dma_start3A_156 = tpu.memref_slice %arg4[%scan3A_137, %mul3A_2, %dma_start3A_155] : memref<50x4096x128xf32, #tpu.memory_space<hbm>> -> memref<1x128x128xf32, #tpu.memory_space<hbm>>
      %dma_start3A_157 = tpu.memref_squeeze %dma_start3A_156 : memref<1x128x128xf32, #tpu.memory_space<hbm>> -> memref<128x128xf32, #tpu.memory_space<hbm>>
      %dma_start3A_158 = tpu.memref_slice %arg9[%rem3A_138] : memref<4x!tpu.dma_semaphore, #tpu.memory_space<semaphore_mem>> -> memref<1x!tpu.dma_semaphore, #tpu.memory_space<semaphore_mem>>
      %dma_start3A_159 = tpu.memref_squeeze %dma_start3A_158 : memref<1x!tpu.dma_semaphore, #tpu.memory_space<semaphore_mem>> -> memref<!tpu.dma_semaphore, #tpu.memory_space<semaphore_mem>>
      %dma_start3A_160 = arith.constant 0 : i32
      %dma_start3A_161 = tpu.memref_slice %arg4[%scan3A_137, %mul3A_2, %dma_start3A_160] : memref<50x4096x128xf32, #tpu.memory_space<hbm>> -> memref<1x128x128xf32, #tpu.memory_space<hbm>>
      %dma_start3A_162 = tpu.memref_squeeze %dma_start3A_161 : memref<1x128x128xf32, #tpu.memory_space<hbm>> -> memref<128x128xf32, #tpu.memory_space<hbm>>
      %dma_start3A_163 = arith.constant 0 : i32
      %dma_start3A_164 = arith.constant 0 : i32
      %dma_start3A_165 = tpu.memref_slice %arg6[%rem3A_138, %dma_start3A_163, %dma_start3A_164] : memref<4x128x128xf32, #tpu.memory_space<vmem>> -> memref<1x128x128xf32, #tpu.memory_space<vmem>>
      %dma_start3A_166 = tpu.memref_squeeze %dma_start3A_165 : memref<1x128x128xf32, #tpu.memory_space<vmem>> -> memref<128x128xf32, #tpu.memory_space<vmem>>
      tpu.enqueue_dma source(%dma_start3A_166 : memref<128x128xf32, #tpu.memory_space<vmem>>) target(%dma_start3A_162 : memref<128x128xf32, #tpu.memory_space<hbm>>) target_semaphore(%dma_start3A_159 : memref<!tpu.dma_semaphore, #tpu.memory_space<semaphore_mem>>)
      %add3A_167 = arith.constant 4 : i32
      %add3A_168 = arith.addi %rem3A_138, %add3A_167 : i32
      %sub3A = arith.constant 1 : i32
      %sub3A_169 = arith.subi %add3A_168, %sub3A : i32
      %rem3A_170 = arith.constant 4 : i32
      %rem3A_171 = arith.remsi %sub3A_169, %rem3A_170 : i32
      %add3A_172 = arith.constant 4 : i32
      %add3A_173 = arith.addi %scan3A_137, %add3A_172 : i32
      %sub3A_174 = arith.constant 1 : i32
      %sub3A_175 = arith.subi %add3A_173, %sub3A_174 : i32
      %lt3A = arith.constant 50 : i32
      %lt3A_176 = arith.cmpi slt, %sub3A_175, %lt3A : i32
      %convert_element_type3A_177 = arith.extui %lt3A_176 : i1 to i32
      %cond3A_178 = arith.constant 0 : i32
      %cond3A_179 = arith.cmpi ne, %convert_element_type3A_177, %cond3A_178 : i32
      scf.if %cond3A_179 {
        %ge3A = arith.constant 1 : i32
        %ge3A_180 = arith.cmpi sge, %scan3A_137, %ge3A : i32
        %convert_element_type3A_181 = arith.extui %ge3A_180 : i1 to i32
        %cond3A_182 = arith.constant 0 : i32
        %cond3A_183 = arith.cmpi ne, %convert_element_type3A_181, %cond3A_182 : i32
        scf.if %cond3A_183 {
          %dma_wait3A_200 = arith.constant 0 : i32
          %dma_wait3A_201 = arith.constant 0 : i32
          %dma_wait3A_202 = arith.constant 0 : i32
          %dma_wait3A_203 = tpu.memref_slice %arg6[%rem3A_171, %dma_wait3A_201, %dma_wait3A_202] : memref<4x128x128xf32, #tpu.memory_space<vmem>> -> memref<1x128x128xf32, #tpu.memory_space<vmem>>
          %dma_wait3A_204 = tpu.memref_squeeze %dma_wait3A_203 : memref<1x128x128xf32, #tpu.memory_space<vmem>> -> memref<128x128xf32, #tpu.memory_space<vmem>>
          %dma_wait3A_205 = arith.constant 0 : i32
          %dma_wait3A_206 = arith.constant 0 : i32
          %dma_wait3A_207 = tpu.memref_slice %arg4[%dma_wait3A_200, %dma_wait3A_205, %dma_wait3A_206] : memref<50x4096x128xf32, #tpu.memory_space<hbm>> -> memref<1x128x128xf32, #tpu.memory_space<hbm>>
          %dma_wait3A_208 = tpu.memref_squeeze %dma_wait3A_207 : memref<1x128x128xf32, #tpu.memory_space<hbm>> -> memref<128x128xf32, #tpu.memory_space<hbm>>
          %dma_wait3A_209 = tpu.memref_slice %arg9[%rem3A_171] : memref<4x!tpu.dma_semaphore, #tpu.memory_space<semaphore_mem>> -> memref<1x!tpu.dma_semaphore, #tpu.memory_space<semaphore_mem>>
          %dma_wait3A_210 = tpu.memref_squeeze %dma_wait3A_209 : memref<1x!tpu.dma_semaphore, #tpu.memory_space<semaphore_mem>> -> memref<!tpu.dma_semaphore, #tpu.memory_space<semaphore_mem>>
          %dma_wait3A_211 = arith.constant 0 : i32
          %dma_wait3A_212 = arith.constant 0 : i32
          %dma_wait3A_213 = tpu.memref_slice %arg4[%dma_wait3A_200, %dma_wait3A_211, %dma_wait3A_212] : memref<50x4096x128xf32, #tpu.memory_space<hbm>> -> memref<1x128x128xf32, #tpu.memory_space<hbm>>
          %dma_wait3A_214 = tpu.memref_squeeze %dma_wait3A_213 : memref<1x128x128xf32, #tpu.memory_space<hbm>> -> memref<128x128xf32, #tpu.memory_space<hbm>>
          %dma_wait3A_215 = arith.constant 0 : i32
          %dma_wait3A_216 = arith.constant 0 : i32
          %dma_wait3A_217 = tpu.memref_slice %arg6[%rem3A_171, %dma_wait3A_215, %dma_wait3A_216] : memref<4x128x128xf32, #tpu.memory_space<vmem>> -> memref<1x128x128xf32, #tpu.memory_space<vmem>>
          %dma_wait3A_218 = tpu.memref_squeeze %dma_wait3A_217 : memref<1x128x128xf32, #tpu.memory_space<vmem>> -> memref<128x128xf32, #tpu.memory_space<vmem>>
          tpu.wait_dma2 semaphore(%dma_wait3A_210 : memref<!tpu.dma_semaphore, #tpu.memory_space<semaphore_mem>>) src(%dma_wait3A_218 : memref<128x128xf32, #tpu.memory_space<vmem>>) dst(%dma_wait3A_214 : memref<128x128xf32, #tpu.memory_space<hbm>>)
        } else {
        }
        %add3A_184 = arith.constant 4 : i32
        %add3A_185 = arith.addi %scan3A_137, %add3A_184 : i32
        %sub3A_186 = arith.constant 1 : i32
        %sub3A_187 = arith.subi %add3A_185, %sub3A_186 : i32
        %dma_start3A_188 = arith.constant 0 : i32
        %dma_start3A_189 = arith.constant 0 : i32
        %dma_start3A_190 = tpu.memref_slice %arg6[%rem3A_171, %dma_start3A_188, %dma_start3A_189] : memref<4x128x128xf32, #tpu.memory_space<vmem>> -> memref<1x128x128xf32, #tpu.memory_space<vmem>>
        %dma_start3A_191 = tpu.memref_squeeze %dma_start3A_190 : memref<1x128x128xf32, #tpu.memory_space<vmem>> -> memref<128x128xf32, #tpu.memory_space<vmem>>
        %dma_start3A_192 = arith.constant 0 : i32
        %dma_start3A_193 = tpu.memref_slice %arg5[%sub3A_187, %dma_start3A_192] : memref<50x128xi32, #tpu.memory_space<vmem>> -> memref<1x128xi32, #tpu.memory_space<vmem>>
        %dma_start3A_194 = tpu.memref_squeeze %dma_start3A_193 : memref<1x128xi32, #tpu.memory_space<vmem>> -> memref<128xi32, #tpu.memory_space<vmem>>
        %dma_start3A_195 = arith.constant 0 : i32
        %dma_start3A_196 = arith.constant 0 : i32
        %dma_start3A_197 = tpu.memref_slice %arg7[%dma_start3A_195, %dma_start3A_196] : memref<1000x128xf32, #tpu.memory_space<vmem_shared>> -> memref<1000x128xf32, #tpu.memory_space<vmem_shared>>
        %dma_start3A_198 = tpu.memref_slice %arg8[%rem3A_171] : memref<4x!tpu.dma_semaphore, #tpu.memory_space<semaphore_mem>> -> memref<1x!tpu.dma_semaphore, #tpu.memory_space<semaphore_mem>>
        %dma_start3A_199 = tpu.memref_squeeze %dma_start3A_198 : memref<1x!tpu.dma_semaphore, #tpu.memory_space<semaphore_mem>> -> memref<!tpu.dma_semaphore, #tpu.memory_space<semaphore_mem>>
        tpu.enqueue_indirect_dma source(%dma_start3A_197 : memref<1000x128xf32, #tpu.memory_space<vmem_shared>>) target(%dma_start3A_191 : memref<128x128xf32, #tpu.memory_space<vmem>>) offsets(%dma_start3A_194 : memref<128xi32, #tpu.memory_space<vmem>>) semaphore(%dma_start3A_199 : memref<!tpu.dma_semaphore, #tpu.memory_space<semaphore_mem>>)
      } else {
      }
    }
    %scan3A_53 = arith.constant 50 : i32
    %dma_wait3A = arith.constant 0 : i32
    %dma_wait3A_54 = arith.constant 0 : i32
    %dma_wait3A_55 = arith.constant 0 : i32
    %dma_wait3A_56 = arith.constant 0 : i32
    %dma_wait3A_57 = arith.constant 0 : i32
    %dma_wait3A_58 = tpu.memref_slice %arg6[%dma_wait3A, %dma_wait3A_56, %dma_wait3A_57] : memref<4x128x128xf32, #tpu.memory_space<vmem>> -> memref<1x128x128xf32, #tpu.memory_space<vmem>>
    %dma_wait3A_59 = tpu.memref_squeeze %dma_wait3A_58 : memref<1x128x128xf32, #tpu.memory_space<vmem>> -> memref<128x128xf32, #tpu.memory_space<vmem>>
    %dma_wait3A_60 = arith.constant 0 : i32
    %dma_wait3A_61 = arith.constant 0 : i32
    %dma_wait3A_62 = tpu.memref_slice %arg4[%dma_wait3A_54, %dma_wait3A_60, %dma_wait3A_61] : memref<50x4096x128xf32, #tpu.memory_space<hbm>> -> memref<1x128x128xf32, #tpu.memory_space<hbm>>
    %dma_wait3A_63 = tpu.memref_squeeze %dma_wait3A_62 : memref<1x128x128xf32, #tpu.memory_space<hbm>> -> memref<128x128xf32, #tpu.memory_space<hbm>>
    %dma_wait3A_64 = tpu.memref_slice %arg9[%dma_wait3A_55] : memref<4x!tpu.dma_semaphore, #tpu.memory_space<semaphore_mem>> -> memref<1x!tpu.dma_semaphore, #tpu.memory_space<semaphore_mem>>
    %dma_wait3A_65 = tpu.memref_squeeze %dma_wait3A_64 : memref<1x!tpu.dma_semaphore, #tpu.memory_space<semaphore_mem>> -> memref<!tpu.dma_semaphore, #tpu.memory_space<semaphore_mem>>
    %dma_wait3A_66 = arith.constant 0 : i32
    %dma_wait3A_67 = arith.constant 0 : i32
    %dma_wait3A_68 = tpu.memref_slice %arg4[%dma_wait3A_54, %dma_wait3A_66, %dma_wait3A_67] : memref<50x4096x128xf32, #tpu.memory_space<hbm>> -> memref<1x128x128xf32, #tpu.memory_space<hbm>>
    %dma_wait3A_69 = tpu.memref_squeeze %dma_wait3A_68 : memref<1x128x128xf32, #tpu.memory_space<hbm>> -> memref<128x128xf32, #tpu.memory_space<hbm>>
    %dma_wait3A_70 = arith.constant 0 : i32
    %dma_wait3A_71 = arith.constant 0 : i32
    %dma_wait3A_72 = tpu.memref_slice %arg6[%dma_wait3A, %dma_wait3A_70, %dma_wait3A_71] : memref<4x128x128xf32, #tpu.memory_space<vmem>> -> memref<1x128x128xf32, #tpu.memory_space<vmem>>
    %dma_wait3A_73 = tpu.memref_squeeze %dma_wait3A_72 : memref<1x128x128xf32, #tpu.memory_space<vmem>> -> memref<128x128xf32, #tpu.memory_space<vmem>>
    tpu.wait_dma2 semaphore(%dma_wait3A_65 : memref<!tpu.dma_semaphore, #tpu.memory_space<semaphore_mem>>) src(%dma_wait3A_73 : memref<128x128xf32, #tpu.memory_space<vmem>>) dst(%dma_wait3A_69 : memref<128x128xf32, #tpu.memory_space<hbm>>)
    %dma_wait3A_74 = arith.constant 1 : i32
    %dma_wait3A_75 = arith.constant 0 : i32
    %dma_wait3A_76 = arith.constant 1 : i32
    %dma_wait3A_77 = arith.constant 0 : i32
    %dma_wait3A_78 = arith.constant 0 : i32
    %dma_wait3A_79 = tpu.memref_slice %arg6[%dma_wait3A_74, %dma_wait3A_77, %dma_wait3A_78] : memref<4x128x128xf32, #tpu.memory_space<vmem>> -> memref<1x128x128xf32, #tpu.memory_space<vmem>>
    %dma_wait3A_80 = tpu.memref_squeeze %dma_wait3A_79 : memref<1x128x128xf32, #tpu.memory_space<vmem>> -> memref<128x128xf32, #tpu.memory_space<vmem>>
    %dma_wait3A_81 = arith.constant 0 : i32
    %dma_wait3A_82 = arith.constant 0 : i32
    %dma_wait3A_83 = tpu.memref_slice %arg4[%dma_wait3A_75, %dma_wait3A_81, %dma_wait3A_82] : memref<50x4096x128xf32, #tpu.memory_space<hbm>> -> memref<1x128x128xf32, #tpu.memory_space<hbm>>
    %dma_wait3A_84 = tpu.memref_squeeze %dma_wait3A_83 : memref<1x128x128xf32, #tpu.memory_space<hbm>> -> memref<128x128xf32, #tpu.memory_space<hbm>>
    %dma_wait3A_85 = tpu.memref_slice %arg9[%dma_wait3A_76] : memref<4x!tpu.dma_semaphore, #tpu.memory_space<semaphore_mem>> -> memref<1x!tpu.dma_semaphore, #tpu.memory_space<semaphore_mem>>
    %dma_wait3A_86 = tpu.memref_squeeze %dma_wait3A_85 : memref<1x!tpu.dma_semaphore, #tpu.memory_space<semaphore_mem>> -> memref<!tpu.dma_semaphore, #tpu.memory_space<semaphore_mem>>
    %dma_wait3A_87 = arith.constant 0 : i32
    %dma_wait3A_88 = arith.constant 0 : i32
    %dma_wait3A_89 = tpu.memref_slice %arg4[%dma_wait3A_75, %dma_wait3A_87, %dma_wait3A_88] : memref<50x4096x128xf32, #tpu.memory_space<hbm>> -> memref<1x128x128xf32, #tpu.memory_space<hbm>>
    %dma_wait3A_90 = tpu.memref_squeeze %dma_wait3A_89 : memref<1x128x128xf32, #tpu.memory_space<hbm>> -> memref<128x128xf32, #tpu.memory_space<hbm>>
    %dma_wait3A_91 = arith.constant 0 : i32
    %dma_wait3A_92 = arith.constant 0 : i32
    %dma_wait3A_93 = tpu.memref_slice %arg6[%dma_wait3A_74, %dma_wait3A_91, %dma_wait3A_92] : memref<4x128x128xf32, #tpu.memory_space<vmem>> -> memref<1x128x128xf32, #tpu.memory_space<vmem>>
    %dma_wait3A_94 = tpu.memref_squeeze %dma_wait3A_93 : memref<1x128x128xf32, #tpu.memory_space<vmem>> -> memref<128x128xf32, #tpu.memory_space<vmem>>
    tpu.wait_dma2 semaphore(%dma_wait3A_86 : memref<!tpu.dma_semaphore, #tpu.memory_space<semaphore_mem>>) src(%dma_wait3A_94 : memref<128x128xf32, #tpu.memory_space<vmem>>) dst(%dma_wait3A_90 : memref<128x128xf32, #tpu.memory_space<hbm>>)
    %dma_wait3A_95 = arith.constant 2 : i32
    %dma_wait3A_96 = arith.constant 0 : i32
    %dma_wait3A_97 = arith.constant 2 : i32
    %dma_wait3A_98 = arith.constant 0 : i32
    %dma_wait3A_99 = arith.constant 0 : i32
    %dma_wait3A_100 = tpu.memref_slice %arg6[%dma_wait3A_95, %dma_wait3A_98, %dma_wait3A_99] : memref<4x128x128xf32, #tpu.memory_space<vmem>> -> memref<1x128x128xf32, #tpu.memory_space<vmem>>
    %dma_wait3A_101 = tpu.memref_squeeze %dma_wait3A_100 : memref<1x128x128xf32, #tpu.memory_space<vmem>> -> memref<128x128xf32, #tpu.memory_space<vmem>>
    %dma_wait3A_102 = arith.constant 0 : i32
    %dma_wait3A_103 = arith.constant 0 : i32
    %dma_wait3A_104 = tpu.memref_slice %arg4[%dma_wait3A_96, %dma_wait3A_102, %dma_wait3A_103] : memref<50x4096x128xf32, #tpu.memory_space<hbm>> -> memref<1x128x128xf32, #tpu.memory_space<hbm>>
    %dma_wait3A_105 = tpu.memref_squeeze %dma_wait3A_104 : memref<1x128x128xf32, #tpu.memory_space<hbm>> -> memref<128x128xf32, #tpu.memory_space<hbm>>
    %dma_wait3A_106 = tpu.memref_slice %arg9[%dma_wait3A_97] : memref<4x!tpu.dma_semaphore, #tpu.memory_space<semaphore_mem>> -> memref<1x!tpu.dma_semaphore, #tpu.memory_space<semaphore_mem>>
    %dma_wait3A_107 = tpu.memref_squeeze %dma_wait3A_106 : memref<1x!tpu.dma_semaphore, #tpu.memory_space<semaphore_mem>> -> memref<!tpu.dma_semaphore, #tpu.memory_space<semaphore_mem>>
    %dma_wait3A_108 = arith.constant 0 : i32
    %dma_wait3A_109 = arith.constant 0 : i32
    %dma_wait3A_110 = tpu.memref_slice %arg4[%dma_wait3A_96, %dma_wait3A_108, %dma_wait3A_109] : memref<50x4096x128xf32, #tpu.memory_space<hbm>> -> memref<1x128x128xf32, #tpu.memory_space<hbm>>
    %dma_wait3A_111 = tpu.memref_squeeze %dma_wait3A_110 : memref<1x128x128xf32, #tpu.memory_space<hbm>> -> memref<128x128xf32, #tpu.memory_space<hbm>>
    %dma_wait3A_112 = arith.constant 0 : i32
    %dma_wait3A_113 = arith.constant 0 : i32
    %dma_wait3A_114 = tpu.memref_slice %arg6[%dma_wait3A_95, %dma_wait3A_112, %dma_wait3A_113] : memref<4x128x128xf32, #tpu.memory_space<vmem>> -> memref<1x128x128xf32, #tpu.memory_space<vmem>>
    %dma_wait3A_115 = tpu.memref_squeeze %dma_wait3A_114 : memref<1x128x128xf32, #tpu.memory_space<vmem>> -> memref<128x128xf32, #tpu.memory_space<vmem>>
    tpu.wait_dma2 semaphore(%dma_wait3A_107 : memref<!tpu.dma_semaphore, #tpu.memory_space<semaphore_mem>>) src(%dma_wait3A_115 : memref<128x128xf32, #tpu.memory_space<vmem>>) dst(%dma_wait3A_111 : memref<128x128xf32, #tpu.memory_space<hbm>>)
    %dma_wait3A_116 = arith.constant 3 : i32
    %dma_wait3A_117 = arith.constant 0 : i32
    %dma_wait3A_118 = arith.constant 3 : i32
    %dma_wait3A_119 = arith.constant 0 : i32
    %dma_wait3A_120 = arith.constant 0 : i32
    %dma_wait3A_121 = tpu.memref_slice %arg6[%dma_wait3A_116, %dma_wait3A_119, %dma_wait3A_120] : memref<4x128x128xf32, #tpu.memory_space<vmem>> -> memref<1x128x128xf32, #tpu.memory_space<vmem>>
    %dma_wait3A_122 = tpu.memref_squeeze %dma_wait3A_121 : memref<1x128x128xf32, #tpu.memory_space<vmem>> -> memref<128x128xf32, #tpu.memory_space<vmem>>
    %dma_wait3A_123 = arith.constant 0 : i32
    %dma_wait3A_124 = arith.constant 0 : i32
    %dma_wait3A_125 = tpu.memref_slice %arg4[%dma_wait3A_117, %dma_wait3A_123, %dma_wait3A_124] : memref<50x4096x128xf32, #tpu.memory_space<hbm>> -> memref<1x128x128xf32, #tpu.memory_space<hbm>>
    %dma_wait3A_126 = tpu.memref_squeeze %dma_wait3A_125 : memref<1x128x128xf32, #tpu.memory_space<hbm>> -> memref<128x128xf32, #tpu.memory_space<hbm>>
    %dma_wait3A_127 = tpu.memref_slice %arg9[%dma_wait3A_118] : memref<4x!tpu.dma_semaphore, #tpu.memory_space<semaphore_mem>> -> memref<1x!tpu.dma_semaphore, #tpu.memory_space<semaphore_mem>>
    %dma_wait3A_128 = tpu.memref_squeeze %dma_wait3A_127 : memref<1x!tpu.dma_semaphore, #tpu.memory_space<semaphore_mem>> -> memref<!tpu.dma_semaphore, #tpu.memory_space<semaphore_mem>>
    %dma_wait3A_129 = arith.constant 0 : i32
    %dma_wait3A_130 = arith.constant 0 : i32
    %dma_wait3A_131 = tpu.memref_slice %arg4[%dma_wait3A_117, %dma_wait3A_129, %dma_wait3A_130] : memref<50x4096x128xf32, #tpu.memory_space<hbm>> -> memref<1x128x128xf32, #tpu.memory_space<hbm>>
    %dma_wait3A_132 = tpu.memref_squeeze %dma_wait3A_131 : memref<1x128x128xf32, #tpu.memory_space<hbm>> -> memref<128x128xf32, #tpu.memory_space<hbm>>
    %dma_wait3A_133 = arith.constant 0 : i32
    %dma_wait3A_134 = arith.constant 0 : i32
    %dma_wait3A_135 = tpu.memref_slice %arg6[%dma_wait3A_116, %dma_wait3A_133, %dma_wait3A_134] : memref<4x128x128xf32, #tpu.memory_space<vmem>> -> memref<1x128x128xf32, #tpu.memory_space<vmem>>
    %dma_wait3A_136 = tpu.memref_squeeze %dma_wait3A_135 : memref<1x128x128xf32, #tpu.memory_space<vmem>> -> memref<128x128xf32, #tpu.memory_space<vmem>>
    tpu.wait_dma2 semaphore(%dma_wait3A_128 : memref<!tpu.dma_semaphore, #tpu.memory_space<semaphore_mem>>) src(%dma_wait3A_136 : memref<128x128xf32, #tpu.memory_space<vmem>>) dst(%dma_wait3A_132 : memref<128x128xf32, #tpu.memory_space<hbm>>)
    return
  }
}

</mosaic_0001>

<sc_bundles>
// kernel: kernel.3.cloned.1.call-start
scs
__scs_entry_jumppad:
0x0: {  	(pc) =	sbr.rel $0x88, $3  }
0x1: {  	(tag) =	ssettag $0x0;
	lr =	simm.s32 $0x1  }
0x2: {  	[smem:$0x3F9F] =	sst lr;
	_ =	strace $0xD0000000  }
0x3: {  	_ = 	snop  }
0x4: {  	_ = 	snop  }
0x5: {  	_ = 	snop  }
0x6: {  	_ = 	snop  }
0x7: {  	_ = 	snop  }
__scs_overlays_trampoline_lowered:
0x8: {  	[smem:$0x3FAE] =	sst s0  }
0x9: {  	[smem:$0x3FAF] =	sst s1  }
0xa: {  	[smem:$0x3FB0] =	sst s2  }
0xb: {  	[smem:$0x3FB1] =	sst s3  }
0xc: {  	[smem:$0x3FB2] =	sst s4  }
0xd: {  	[smem:$0x3FB3] =	sst s5  }
0xe: {  	[smem:$0x3FB4] =	sst s6  }
0xf: {  	[smem:$0x3FB5] =	sst s7  }
0x10: {  	[smem:$0x3FB6] =	sst s8  }
0x11: {  	[smem:$0x3FB7] =	sst s9;
	s0 =	simm.s32 @!p0 $0x0  }
0x12: {  	s1 =	sld [smem:$0x3F9D];
	s0 =	simm.s32 @p0 $0x1  }
0x13: {  	[smem:$0x3FB8] =	sst s0;
	s0 =	simm.s32 @!p1 $0x0  }
0x14: {  	s2 =	sld [smem:$0x3F9C];
	s0 =	simm.s32 @p1 $0x1  }
0x15: {  	[smem:$0x3FB9] =	sst s0;
	s0 =	simm.s32 @!p2 $0x0  }
0x16: {  	s3 =	sld [smem:$0x3FDB];
	s0 =	simm.s32 @p2 $0x1  }
0x17: {  	s4 =	simm.s32 $0x1BF5;
	[smem:$0x3FBB] =	sst s0  }
0x18: {  	s0 =	sld [smem:$0x3F9E];
	_ =	swait.ge [sflag:s4], $0x0  }
0x19: {  	s7 =	sld [smem:$0x3F9F]  }
0x1a: {  	s8 =	sadd.s32 $0xFFFFE003, lr  }
0x1b: {  	s9 =	sadd.s32 $0xFFFFFEF7, lr;
	s5 =	simm.s32 $0xFFFFFFFF;
	p2 =	slt.u32 s8, $0xFFFFF086  }
0x1c: {  	p1 =	slt.u32 s9, $0xF7A;
	s5 =	simm.s32 @!p2 $0x0  }
0x1d: {  	s5 =	simm.s32 @p1 $0x1;
	p0 =	seq.s32 s7, s2  }
0x1e: {  	s7 =	smul.u32 @!p0 $0xF7A, s2;
	p2 =	seq.s32 @!p0 s5, $0x0  }
0x1f: {  	s9 =	smul.u32 $0xF7A, s1;
	s8 =	simm.s32 @!p0 $0x1BF5;
	p2 =	por !p2, p0  }
0x20: {  	[sflag:s8] =	ssyncset.s32 @!p0 $0xFFFFF086;
	s6 =	sadd.s32 @!p0 s3, s7;
	s7 =	simm.s32 @!p0 $0x108  }
0x21: {  	s3 =	sadd.s32 s3, s9;
	s6 =	sadd.s32 @!p0 $0x88, s6;
	s7 =	simm.s32 @p2 $0x1082  }
0x22: {  	[simem:s7], [sflag:s8] =	dma.local @!p0 [hbm:s6], $0xF7A  }
0x23: {  	s9 =	sor.u32 $0xD0000000, s2;
	s6 =	simm.s32 $0x108;
	_ =	swait.ge @!p0 [sflag:s8], $0x0  }
0x24: {  	s3 =	sadd.s32 $0x88, s3;
	s6 =	simm.s32 @!p1 $0x1082;
	[sflag:s4] =	ssyncset.s32 $0xFFFFF086  }
0x25: {  	[simem:s6], [sflag:s4] =	dma.local [hbm:s3], $0xF7A  }
0x26: {  	[smem:$0x3F9F] =	sst s1;
	(tag) =	ssettag s2;
	_ =	strace s9  }
0x27: {  	s1 =	sld [smem:$0x3FAF]  }
0x28: {  	s2 =	sld [smem:$0x3FB0]  }
0x29: {  	s4 =	sld [smem:$0x3FB2]  }
0x2a: {  	p0 =	seq.s32 s5, $0x0;
	s5 =	sld [smem:$0x3FB3]  }
0x2b: {  	s6 =	sld [smem:$0x3FB4]  }
0x2c: {  	s7 =	sld [smem:$0x3FB5]  }
0x2d: {  	s3 =	simm.s32 $0x108;
	s8 =	sld [smem:$0x3FB6]  }
0x2e: {  	s3 =	simm.s32 @!p0 $0x1082;
	s9 =	sld [smem:$0x3FB7]  }
0x2f: {  	lr =	sadd.s32 s0, s3;
	s0 =	sld [smem:$0x3FAE]  }
0x30: {  	s3 =	sld [smem:$0x3FB1]  }
0x31: {  	[smem:$0x3FBA] =	sst s10  }
0x32: {  	s10 =	sld [smem:$0x3FB8];
	_ =	sdelay $0x3  }
0x33: {  	p0 =	seq.s32 s10, $0x1;
	s10 =	sld [smem:$0x3FBA];
	_ =	sdelay $0x3  }
0x34: {  	[smem:$0x3FBA] =	sst s10  }
0x35: {  	s10 =	sld [smem:$0x3FB9];
	_ =	sdelay $0x3  }
0x36: {  	p1 =	seq.s32 s10, $0x1;
	s10 =	sld [smem:$0x3FBA];
	_ =	sdelay $0x3  }
0x37: {  	[smem:$0x3FBA] =	sst s10  }
0x38: {  	s10 =	sld [smem:$0x3FBB]  }
0x39: {  	_ = 	snop;
	(pc) =	sbr.ind lr, $3  }
0x3a: {  	_ = 	snop  }
0x3b: {  	_ = 	snop  }
0x3c: {  	p2 =	seq.s32 s10, $0x1;
	s10 =	sld [smem:$0x3FBA]  }
0x3d: {  	_ =	shalt  }
0x3e: {  	_ =	shalt  }
0x3f: {  	_ =	shalt  }
0x40: {  	_ =	shalt  }
0x41: {  	_ =	shalt  }
0x42: {  	_ =	shalt  }
0x43: {  	_ =	shalt  }
0x44: {  	_ =	shalt  }
0x45: {  	_ =	shalt  }
0x46: {  	_ =	shalt  }
0x47: {  	_ =	shalt  }
0x48: {  	_ =	shalt  }
0x49: {  	_ =	shalt  }
0x4a: {  	_ =	shalt  }
0x4b: {  	_ =	shalt  }
0x4c: {  	_ =	shalt  }
0x4d: {  	_ =	shalt  }
0x4e: {  	_ =	shalt  }
0x4f: {  	_ =	shalt  }
0x50: {  	_ =	shalt  }
0x51: {  	_ =	shalt  }
0x52: {  	_ =	shalt  }
0x53: {  	_ =	shalt  }
0x54: {  	_ =	shalt  }
0x55: {  	_ =	shalt  }
0x56: {  	_ =	shalt  }
0x57: {  	_ =	shalt  }
0x58: {  	_ =	shalt  }
0x59: {  	_ =	shalt  }
0x5a: {  	_ =	shalt  }
0x5b: {  	_ =	shalt  }
0x5c: {  	_ =	shalt  }
0x5d: {  	_ =	shalt  }
0x5e: {  	_ =	shalt  }
0x5f: {  	_ =	shalt  }
0x60: {  	_ =	shalt  }
0x61: {  	_ =	shalt  }
0x62: {  	_ =	shalt  }
0x63: {  	_ =	shalt  }
0x64: {  	_ =	shalt  }
0x65: {  	_ =	shalt  }
0x66: {  	_ =	shalt  }
0x67: {  	_ =	shalt  }
0x68: {  	_ =	shalt  }
0x69: {  	_ =	shalt  }
0x6a: {  	_ =	shalt  }
0x6b: {  	_ =	shalt  }
0x6c: {  	_ =	shalt  }
0x6d: {  	_ =	shalt  }
0x6e: {  	_ =	shalt  }
0x6f: {  	_ =	shalt  }
0x70: {  	_ =	shalt  }
0x71: {  	_ =	shalt  }
0x72: {  	_ =	shalt  }
0x73: {  	_ =	shalt  }
0x74: {  	_ =	shalt  }
0x75: {  	_ =	shalt  }
0x76: {  	_ =	shalt  }
0x77: {  	_ =	shalt  }
0x78: {  	_ =	shalt  }
0x79: {  	_ =	shalt  }
0x7a: {  	_ =	shalt  }
0x7b: {  	_ =	shalt  }
0x7c: {  	_ =	shalt  }
0x7d: {  	_ =	shalt  }
0x7e: {  	_ =	shalt  }
0x7f: {  	_ =	shalt  }
0x80: {  	_ =	shalt  }
0x81: {  	_ =	shalt  }
0x82: {  	_ =	shalt  }
0x83: {  	_ =	shalt  }
0x84: {  	_ =	shalt  }
0x85: {  	_ =	shalt  }
0x86: {  	_ =	shalt  }
0x87: {  	_ =	shalt  }
.Lfunc_end0:
.L_simem_size_0:
called_computation_lowered:
.L_overlay_start_0:
0x88: {  	s2 =	sld [smem:$0x3FD9]  }
0x89: {  	s3 =	sld [smem:$0x3FFE];
	_ =	sdelay $0x1  }
0x8a: {  	s1 =	srdreg.scid  }
0x8b: {  	s0 =	sand.u32 $0x1, s1  }
0x8c: {  	s18 =	sshll.u32 s0, $0xA;
	s2 =	sadd.s32 s3, s2  }
0x8d: {  	s2 =	sadd.s32 s2, s18  }
0x8e: {  	[smem:$0x3FC6] =	sst s2  }
0x8f: {  	_ = 	snop  }
0x90: {  	s2 =	sld [smem:$0x3FC9]  }
0x91: {  	s19 =	sld [smem:$0x3FC8]  }
0x92: {  	s4 =	sld [smem:$0x3FD0];
	(tm) =	ssettm $0x1  }
0x93: {  	s5 =	sld [smem:$0x3FFB];
	_ =	sdelay $0x3  }
0x94: {  	_ =	strace s5  }
0x95: {  	s5 =	sld [smem:$0x3FFC];
	_ =	sdelay $0x3  }
0x96: {  	_ =	strace s5  }
0x97: {  	s5 =	sld [smem:$0x3FFD];
	_ =	sdelay $0x3  }
0x98: {  	_ =	strace s5  }
0x99: {  	_ =	strace $0x8FFFFFFF  }
0x9a: {  	s20 =	sld [smem:$0x3FDB];
	_ =	sdelay $0x1  }
0x9b: {  	s6 =	simm.s32 $_scs_section_size  }
0x9c: {  	s7 =	simm.s32 $_size__tile_overlayer_lowered;
	s8 =	simm.s32 $_tile_overlayer_lowered  }
0x9d: {  	s23 =	simm.s32 $0x1BFF;
	s22 =	sshll.u32 s8, $0x1;
	s5 =	sadd.s32 s6, s20  }
0x9e: {  	s9 =	simm.s32 $0x0;
	s21 =	sshll.u32 s7, $0x1;
	s7 =	sadd.s32 s22, s5  }
0x9f: {  	[timem:s9], [sflag:s23] =	dma.local [hbm:s7], s21  }
0xa0: {  	_ =	swait.ge [sflag:s23], s21  }
0xa1: {  	s6 =	ssub.s32 $0x0, s21;
	[sflag:s23] =	ssyncset.done $0x0  }
0xa2: {  	[sflag:s23] =	ssyncadd.s32 s6;
	_ =	sdelay $0x1  }
0xa3: {  	s24 =	simm.s32 $0x1B8B  }
0xa4: {  	_ =	swait.ge [sflag:s24], $0x1  }
0xa5: {  	[sflag:s24] =	ssyncset.done $0x0  }
0xa6: {  	s25 =	simm.s32 $0x1B8E;
	[sflag:s24] =	ssyncadd.s32 $0xFFFFFFFF  }
0xa7: {  	s26 =	simm.s32 $execute0_lowered;
	[smem:$0x3FD2] =	sst s25  }
0xa8: {  	s6 =	sshll.u32 s26, $0x1;
	_ =	strace $0x80000046;
	[dreg:$0x1] =	wrdreg $0xFFFFFFFF  }
0xa9: {  	s28 =	simm.s32 $_size_execute0_lowered;
	s5 =	sadd.s32 s5, s6;
	[dreg:$0x0] =	wrdreg $0x0  }
0xaa: {  	s6 =	sshll.u32 s28, $0x1;
	[dreg:$0x2] =	wrdreg s5  }
0xab: {  	[dreg:$0x3] =	wrdreg s6  }
0xac: {  	[dreg:$0x4] =	wrdreg $0xC0  }
0xad: {  	_ =	task [dreg:s9], $0x5FFFF  }
0xae: {  	[dreg:$0x1] =	wrdreg $0xFFFFFFFF  }
0xaf: {  	[dreg:$0x0] =	wrdreg $0x60  }
0xb0: {  	[dreg:$0x2] =	wrdreg s2  }
0xb1: {  	[dreg:$0x3] =	wrdreg s19  }
0xb2: {  	[dreg:$0x4] =	wrdreg s4  }
0xb3: {  	[dreg:$0x5] =	wrdreg $0x11C000  }
0xb4: {  	[dreg:$0x6] =	wrdreg $0x9  }
0xb5: {  	_ =	task.clear_ibuf [dreg:s9], $0x7FFFF;
	_ =	strace $0x90000046  }
0xb6: {  	s29 =	simm.s32 $0x9;
	_ =	strace $0x80000048  }
0xb7: {  	_ =	swait.ge [sflag:s29], $0x1  }
0xb8: {  	[sflag:s29] =	ssyncadd.s32 $0xFFFFFFFF  }
0xb9: {  	_ =	strace $0x90000048  }
0xba: {  	_ =	sfence  }
0xbb: {  	s30 =	sld [smem:$0x0];
	_ =	sdelay $0x2  }
0xbc: {  	s31 =	sshll.u32 s1, $0xD;
	s1 =	sshrl.u32 s1, $0x2  }
0xbd: {  	s3 =	sand.u32 $0x4000, s31;
	s1 =	sadd.s32 s1, s30  }
0xbe: {  	s0 =	sor.u32 s3, s0;
	s1 =	sshll.u32 s1, $0x11  }
0xbf: {  	s0 =	sor.u32 s1, s0  }
0xc0: {  	s0 =	sadd.s32 $0x8F2B, s0  }
0xc1: {  	[sflag:s0] =	ssyncadd.remote.s32 $0x1  }
0xc2: {  	_ =	sfence.sel $0xFFFF  }
0xc3: {  	[dreg:$0x0] =	wrdreg $0xFFFFFFFF;
	(pc) =	sbr.abs _section_cstart, $3  }
0xc4: {  	[dreg:$0x1] =	wrdreg $0xFFFFFFFF  }
0xc5: {  	_ =	task.clear_ibuf [dreg:s9], $0x2FFFF;
	_ =	strace $0x9FFFFFFF  }
0xc6: {  	(tm) =	ssettm $0x7FFFFFFF  }
0xc7: {  	_ =	shalt  }
tec
execute0_lowered:
.L_overlay_start_1:
0x0: {  	(tag) =	ssettag $0x1  }
0x1: {  	s0 =	rddreg [dreg:$0x0]  }
0x2: {  	s1 =	rddreg [dreg:$0x2]  }
0x3: {  	s2 =	rddreg [dreg:$0x3];
	s3 =	simm.s32 $0x0;
	s4 =	srdreg.scid  }
0x4: {  	s6 =	stileid.u32;
	s13 =	simm.s32 $0x9;
	s14 =	simm.s32 $0x80  }
0x5: {  	s15 =	simm.s32 $0x1C00;
	s16 =	simm.s32 $0x5C00;
	s17 =	simm.s32 $0x100  }
0x6: {  	s18 =	simm.s32 $0x9C00;
	s19 =	simm.s32 $0x1;
	s20 =	simm.s32 $0x180  }
0x7: {  	s21 =	simm.s32 $0xDC00;
	s22 =	simm.s32 $0x5;
	s23 =	simm.s32 $0x6  }
0x8: {  	s24 =	simm.s32 $0x7;
	s25 =	simm.s32 $0x8;
	s26 =	simm.s32 $0x0  }
0x9: {  	[smem:$0x7FF] =	sst s3;
	s5 =	sand.u32 $0x1, s4;
	s7 =	sshll.u32 s6, $0x8  }
0xa: {  	s30 =	sshll.u32 s6, $0xC;
	p0 =	sne.s32 s6, $0x0;
	s4 =	ssub.s32 $0x2, s5  }
0xb: {  	s8 =	sshll.u32 s5, $0x7;
	_ =	strace $0x80000047;
	s9 =	sshrl.u32 s4, $0x1  }
0xc: {  	s31 =	sshll.u32 s5, $0xB;
	s7 =	sor.u32 s8, s7;
	s29 =	ssub.s32 s4, s9  }
0xd: {  	s4 =	sadd.s32 s0, s7;
	s7 =	sshll.u32 s7, $0x4;
	s0 =	sadd.s32 s30, s1  }
0xe: {  	s8 =	sshrl.u32 @!p0 s2, $0x3;
	s5 =	sadd.s32 s1, s7;
	s0 =	sadd.s32 s31, s0  }
0xf: {  	s6 =	smax.u32 s29, $0x1;
	s11 =	sadd.s32 $0x6000, s4;
	s7 =	sadd.s32 $0x10000, s0  }
.LBB2_1:
0x10: {  	s0 =	simm.s32 @!p0 $0x1C09;
	s1 =	rddreg [dreg:$0x1]  }
0x11: {  	[spmem:s8], [sflag:s0] =	dma.local @!p0 [hbm:s1], $0x3E80  }
0x12: {  	s0 =	simm.s32 @!p0 $0x9  }
0x13: {  	_ =	swait.ge @!p0 [sflag:s0], $0x3E80  }
0x14: {  	[sflag:s0] =	ssyncset.done @!p0 $0x0  }
0x15: {  	s9 =	simm.s32 $0x8000;
	s1 =	simm.s32 $0x400;
	[sflag:s0] =	ssyncadd.s32 @!p0 $0xFFFFC180  }
0x16: {  	[tilespmem:s3], [sflag:$0x9] =	stream.strided.gather [hbm4b:s4+s1], $0x1800, s9, s1, $0x38;
	[tilespmem:$0x13B40] =	vst v63  }
0x17: {  	s10 =	simm.s32 $0x1800  }
0x18: {  	[tilespmem:s10], [sflag:$0x9] =	stream.linear.gather [hbm4b:s11+s3], $0x100, $0x38;
	[tilespmem:$0x13B40] =	vst v63  }
0x19: {  	_ =	swait.ge [sflag:s13], $0x1900  }
0x1a: {  	[sflag:s13] =	ssyncset.done $0x0  }
0x1b: {  	[sflag:s13] =	ssyncadd.s32 $0xFFFFE700  }
0x1c: {  	[bflag:$0x0] =	sbarrier.arrive $0xFFFF  }
0x1d: {  	[tilespmem:s15], [sflag:$0x1] =	stream.indirect.gather [spmem:s2], $0x80, s3, s14, $0xb8;
	[tilespmem:$0x13B40] =	vst v63  }
0x1e: {  	_ = 	snop  }
0x1f: {  	[tilespmem:s16], [sflag:$0x2] =	stream.indirect.gather [spmem:s2], $0x80, s14, s14, $0xb8;
	[tilespmem:$0x13B40] =	vst v63  }
0x20: {  	_ = 	snop  }
0x21: {  	[tilespmem:s18], [sflag:$0x3] =	stream.indirect.gather [spmem:s2], $0x80, s17, s14, $0xb8;
	[tilespmem:$0x13B40] =	vst v63  }
0x22: {  	_ =	swait.ge [sflag:s19], $0x4000  }
0x23: {  	s12 =	simm.s32 $0x1;
	[sflag:s19] =	ssyncset.done $0x0  }
0x24: {  	s0 =	sand.u32 $0x3, s12;
	[sflag:s19] =	ssyncadd.s32 $0xFFFFC000  }
0x25: {  	[hbm4b:s5+s3] =	stream.linear.scatter [tilespmem:s15], [sflag:$0x5], $0x4000, $0x38;
	[tilespmem:$0x13B40] =	vst v63  }
0x26: {  	s28 =	simm.s32 $0x200;
	s29 =	simm.s32 $0x5;
	s9 =	sadd.s32 $0x1, s0  }
0x27: {  	[tilespmem:s21], [sflag:$0x4] =	stream.indirect.gather [spmem:s2], $0x80, s20, s14, $0xb8;
	[tilespmem:$0x13B40] =	vst v63  }
0x28: {  	p1 =	por $0x0, $0x0;
	s1 =	simm.s32 $0x4;
	_ =	swait.ge [sflag:s9], $0x4000  }
0x29: {  	s10 =	sshll.u32 s0, $0xE;
	s0 =	sadd.s32 $0x5, s0;
	[sflag:s9] =	ssyncset.done $0x0  }
0x2a: {  	s10 =	sor.u32 $0x1C00, s10;
	[sflag:s9] =	ssyncadd.s32 $0xFFFFC000;
	s9 =	sand.u32 @!p1 $0x3, s1  }
0x2b: {  	[hbm4b:s7+s3] =	stream.linear.scatter [tilespmem:s10], [sflag:s0], $0x4000, $0x38;
	[tilespmem:$0x13B40] =	vst v63  }
0x2c: {  	s30 =	sadd.s32 $0x10000, s7;
	s31 =	simm.s32 $0x280;
	s1 =	sadd.s32 @!p1 $0x5, s9  }
0x2d: {  	s10 =	sshll.u32 @!p1 s9, $0xE;
	s0 =	sadd.s32 @!p1 $0x1, s9;
	_ =	swait.ge @!p1 [sflag:s1], $0x4000  }
0x2e: {  	s9 =	sor.u32 @!p1 $0x1C00, s10;
	s10 =	simm.s32 @!p1 $0x80;
	[sflag:s1] =	ssyncset.done @!p1 $0x0  }
.LBB2_2:
0x2f: {  	s12 =	sadd.s32 $0xFFFFFFFD, s29  }
0x30: {  	[sflag:s1] =	ssyncadd.s32 @!p1 $0xFFFFC000;
	s1 =	smov.u32 s29;
	s29 =	sadd.s32 $0x1, s29  }
0x31: {  	[tilespmem:s9], [sflag:s0] =	stream.indirect.gather @!p1 [spmem:s2], $0x80, s28, s10, $0xb8;
	[tilespmem:$0x13B40] =	vst v63  }
0x32: {  	s0 =	sand.u32 $0x3, s12;
	p2 =	sne.s32 s29, $0x35;
	s28 =	smov.u32 s31  }
0x33: {  	s9 =	sadd.s32 $0x1, s0;
	s10 =	sshll.u32 s0, $0xE  }
0x34: {  	p1 =	sgt.u32 s12, $0x2E;
	_ =	swait.ge [sflag:s9], $0x4000  }
0x35: {  	s0 =	sadd.s32 $0x5, s0;
	s10 =	sor.u32 $0x1C00, s10;
	[sflag:s9] =	ssyncset.done $0x0  }
.Ltmp0:
0x36: {  	[sflag:s9] =	ssyncadd.s32 $0xFFFFC000;
	s9 =	sand.u32 @!p1 $0x3, s1;
	(pc) =	sbr.rel @p2 .LBB2_2-.Ltmp0, $4  }
0x37: {  	[hbm4b:s30+s3] =	stream.linear.scatter [tilespmem:s10], [sflag:s0], $0x4000, $0x38;
	[tilespmem:$0x13B40] =	vst v63  }
0x38: {  	s1 =	sadd.s32 @!p1 $0x5, s9;
	s10 =	sshll.u32 @!p1 s9, $0xE;
	s0 =	sadd.s32 @!p1 $0x1, s9  }
0x39: {  	s30 =	sadd.s32 $0x10000, s30;
	s9 =	sor.u32 @!p1 $0x1C00, s10;
	_ =	swait.ge @!p1 [sflag:s1], $0x4000  }
0x3a: {  	s31 =	sadd.s32 $0x80, s31;
	s10 =	simm.s32 @!p1 $0x80;
	[sflag:s1] =	ssyncset.done @!p1 $0x0  }
0x3b: {  	[sflag:s1] =	ssyncadd.s32 @!p1 $0xFFFFC000  }
0x3c: {  	[tilespmem:s9], [sflag:s0] =	stream.indirect.gather @!p1 [spmem:s2], $0x80, s28, s10, $0xb8;
	[tilespmem:$0x13B40] =	vst v63  }
0x3d: {  	_ =	swait.ge [sflag:s22], $0x4000  }
0x3e: {  	[sflag:s22] =	ssyncset.done $0x0  }
0x3f: {  	[sflag:s22] =	ssyncadd.s32 $0xFFFFC000  }
0x40: {  	_ =	swait.ge [sflag:s23], $0x4000  }
0x41: {  	[sflag:s23] =	ssyncset.done $0x0  }
0x42: {  	s26 =	sadd.s32 $0x1, s26;
	[sflag:s23] =	ssyncadd.s32 $0xFFFFC000  }
0x43: {  	p1 =	sne.s32 s26, s6;
	_ =	swait.ge [sflag:s24], $0x4000  }
.Ltmp1:
0x44: {  	[sflag:s24] =	ssyncset.done $0x0;
	(pc) =	sbr.rel @p1 .LBB2_1-.Ltmp1, $4  }
0x45: {  	[sflag:s24] =	ssyncadd.s32 $0xFFFFC000  }
0x46: {  	_ =	swait.ge [sflag:s25], $0x4000  }
0x47: {  	[sflag:s25] =	ssyncset.done $0x0  }
0x48: {  	[sflag:s25] =	ssyncadd.s32 $0xFFFFC000  }
0x49: {  	_ =	sfence.sel $0x180000  }
0x4a: {  	[bflag:$0x0] =	sbarrier.arrive $0xFFFF  }
0x4b: {  	_ =	strace $0x90000047  }
0x4c: {  	[bflag:$0x2] =	sbarrier.arrive $0xFFFF  }
0x4d: {  	s0 =	rddreg [dreg:$0x4]  }
0x4e: {  	s0 =	sadd.s32 @!p0 $0x100000, s0  }
0x4f: {  	[sflag:s0] =	ssyncadd.tile.s32 @!p0 $0x1;
	_ =	shalt  }
.Lfunc_end2:
_tile_overlayer_lowered:
.L_overlay_start_2:
0x50: {  	(tag) =	ssettag $0x2  }
0x51: {  	s0 =	rddreg [dreg:$0x0];
	s2 =	stileid.u32  }
0x52: {  	s1 =	rddreg [dreg:$0x1];
	p0 =	sne.s32 s2, $0x0  }
0x53: {  	s3 =	rddreg [dreg:$0x2];
	[bflag:$0x3] =	sbarrier.arrive $0xFFFF;
	s2 =	simm.s32 @!p0 $0x1C09  }
0x54: {  	[timem:s3], [sflag:s2] =	dma.local @!p0 [hbm:s0], s1  }
0x55: {  	s0 =	simm.s32 @!p0 $0x9  }
0x56: {  	_ =	swait.ge @!p0 [sflag:s0], s1  }
0x57: {  	s1 =	ssub.s32 @!p0 $0x0, s1;
	[sflag:s0] =	ssyncset.done @!p0 $0x0  }
0x58: {  	[sflag:s0] =	ssyncadd.s32 @!p0 s1  }
0x59: {  	[bflag:$0x3] =	sbarrier.arrive $0xFFFF  }
0x5a: {  	_ =	shalt  }

</sc_bundles>
